<compile_context>
chip_gen: v7x
topology: tpu7x:2x2x1
jax: 0.10.2.dev20260603
libtpu: 0.0.44.dev20260713+nightly
codegen_flags: <defaults>
</compile_context>

<pallas_src>
import functools

import jax
import jax.numpy as jnp
import numpy as np
from jax import lax
from jax.experimental import pallas as pl
from jax.experimental.pallas import tpu as pltpu
from jax.experimental.pallas import tpu_sc as plsc

_K = 16
_EPS = 1e-5

_SQRT_HALF = np.float32(1.0 / np.sqrt(2.0))


def _gelu(x):
    return 0.5 * x * (1.0 + lax.erf(x * _SQRT_HALF))



def _fps_body(xyz_ref, idx_ref, pts_ref):
    X = xyz_ref[:, 0]
    Y = xyz_ref[:, 1]
    Z = xyz_ref[:, 2]
    B, S, L = X.shape
    n2 = idx_ref.shape[0]
    flat = (lax.broadcasted_iota(jnp.int32, (B, S, L), 1) * L
            + lax.broadcasted_iota(jnp.int32, (B, S, L), 2))
    BIG = jnp.int32(1 << 30)

    def step(t, carry):
        D, cur = carry
        sel = flat == cur
        px = jnp.max(jnp.where(sel, X, -jnp.inf), axis=2, keepdims=True).max(
            axis=1, keepdims=True)
        py = jnp.max(jnp.where(sel, Y, -jnp.inf), axis=2, keepdims=True).max(
            axis=1, keepdims=True)
        pz = jnp.max(jnp.where(sel, Z, -jnp.inf), axis=2, keepdims=True).max(
            axis=1, keepdims=True)
        dx = X - px
        dy = Y - py
        dz = Z - pz
        dist = dx * dx + dy * dy + dz * dz
        D = jnp.minimum(D, dist)
        m = jnp.max(D, axis=2, keepdims=True).max(axis=1, keepdims=True)
        nxt = jnp.min(jnp.where(D == m, flat, BIG), axis=2, keepdims=True).min(
            axis=1, keepdims=True)
        idx_ref[pl.ds(t, 1), :] = cur.reshape(1, B)
        pts_ref[pl.ds(t, 1), :] = jnp.concatenate([px, py, pz], axis=1).reshape(
            1, 3 * B)
        return D, nxt

    D0 = jnp.full((B, S, L), 1e10, jnp.float32)
    cur0 = jnp.zeros((B, 1, 1), jnp.int32)
    lax.fori_loop(0, n2, step, (D0, cur0))


def _fps(points, n2):
    b, n, _ = points.shape
    S, L = n // 512, 512
    xyz = points.transpose(0, 2, 1).reshape(b, 3, S, L)
    idx2d, pts2d = pl.pallas_call(
        _fps_body,
        out_shape=[
            jax.ShapeDtypeStruct((n2, b), jnp.int32),
            jax.ShapeDtypeStruct((n2, 3 * b), jnp.float32),
        ],
    )(xyz)
    p2_idx = idx2d.T
    p2_points = pts2d.reshape(n2, b, 3).transpose(1, 0, 2)
    return p2_idx, p2_points



def _knn_body(q_ref, rt_ref, idx_ref):
    q = q_ref[0]
    rt = rt_ref[0]
    qn = jnp.sum(q * q, axis=1, keepdims=True)
    rn = jnp.sum(rt * rt, axis=0, keepdims=True)
    qr = jnp.dot(q.astype(jnp.bfloat16), rt.astype(jnp.bfloat16),
                 preferred_element_type=jnp.float32)
    D = (qn + rn) - 2.0 * qr
    lane = lax.broadcasted_iota(jnp.int32, D.shape, 1)
    BIGI = jnp.int32(1 << 30)
    BIGF = jnp.float32(3e38)
    cols = []
    for _ in range(_K):
        m = jnp.min(D, axis=1, keepdims=True)
        j = jnp.min(jnp.where(D == m, lane, BIGI), axis=1, keepdims=True)
        cols.append(j)
        D = jnp.where(lane == j, BIGF, D)
    idx_ref[0] = jnp.concatenate(cols, axis=1)


def _knn(query, ref):
    b, nq, _ = query.shape
    nr = ref.shape[1]
    QT = 256
    qpad = jnp.pad(query, ((0, 0), (0, 0), (0, 5)))
    rt = jnp.pad(ref.transpose(0, 2, 1), ((0, 0), (0, 5), (0, 0)))
    grid = (b, nq // QT)
    return pl.pallas_call(
        _knn_body,
        grid=grid,
        in_specs=[
            pl.BlockSpec((1, QT, 8), lambda i, j: (i, j, 0)),
            pl.BlockSpec((1, 8, nr), lambda i, j: (i, 0, 0)),
        ],
        out_specs=pl.BlockSpec((1, QT, _K), lambda i, j: (i, j, 0)),
        out_shape=jax.ShapeDtypeStruct((b, nq, _K), jnp.int32),
    )(qpad, rt)



@functools.partial(jax.jit, static_argnums=(2, 3, 4))
def _gather_rows(table, idx, R, D, NF):
    info = plsc.get_sparse_core_info()
    NW = info.num_cores * info.num_subcores
    b_per_w = NF // NW
    CH = 8
    while CH * 2 <= b_per_w and CH * 2 * D <= 65536:
        CH *= 2
    n_ch = b_per_w // CH
    mesh = plsc.VectorSubcoreMesh(core_axis_name="c", subcore_axis_name="s")

    @functools.partial(
        pl.kernel,
        mesh=mesh,
        out_type=jax.ShapeDtypeStruct((NF, D), jnp.float32),
        scratch_types=[
            pltpu.VMEM((CH,), jnp.int32),
            pltpu.VMEM((CH, D), jnp.float32),
            pltpu.SemaphoreType.DMA,
        ],
    )
    def gk(table_hbm, idx_hbm, out_hbm, idx_v, rows_v, sem):
        wid = lax.axis_index("s") * info.num_cores + lax.axis_index("c")
        base = wid * b_per_w

        def chunk(i, c):
            off = base + i * CH
            pltpu.sync_copy(idx_hbm.at[pl.ds(off, CH)], idx_v)
            pltpu.async_copy(table_hbm.at[idx_v], rows_v, sem).wait()
            pltpu.sync_copy(rows_v, out_hbm.at[pl.ds(off, CH)])
            return c

        lax.fori_loop(0, n_ch, chunk, 0)

    return gk(table, idx)



def _t1_body(p_ref, f_ref, wp_ref, wf_ref, b_ref, o_ref):
    acc = jnp.dot(p_ref[0], wp_ref[...], preferred_element_type=jnp.float32)
    acc = acc + jnp.dot(f_ref[0], wf_ref[...], preferred_element_type=jnp.float32)
    o_ref[0] = acc + b_ref[...]


def _stats_body(x_ref, o_ref, acc_ref):
    i = pl.program_id(0)
    x = x_ref[...]
    s = jnp.sum(x, axis=0, keepdims=True)
    ss = jnp.sum(x * x, axis=0, keepdims=True)

    @pl.when(i == 0)
    def _():
        acc_ref[...] = jnp.zeros_like(acc_ref)

    acc_ref[0:1, :] += s
    acc_ref[1:2, :] += ss

    @pl.when(i == pl.num_programs(0) - 1)
    def _():
        o_ref[...] = acc_ref[...]


def _stats(x_flat, tile):
    n, d = x_flat.shape
    return pl.pallas_call(
        _stats_body,
        grid=(n // tile,),
        in_specs=[pl.BlockSpec((tile, d), lambda i: (i, 0))],
        out_specs=pl.BlockSpec((8, d), lambda i: (0, 0)),
        out_shape=jax.ShapeDtypeStruct((8, d), jnp.float32),
        scratch_shapes=[pltpu.VMEM((8, d), jnp.float32)],
    )(x_flat)


def _bn_from_stats(x, st, g, b, count):
    m = st[0:1, :] / count
    v = st[1:2, :] / count - m * m
    return g * (x - m) * lax.rsqrt(v + _EPS) + b


def _td_apply_body(x_ref, st_ref, g_ref, b_ref, o_ref, *, count):
    y = _gelu(_bn_from_stats(x_ref[...], st_ref[...], g_ref[...], b_ref[...],
                             count))
    nq = o_ref.shape[0]
    o_ref[...] = jnp.max(y.reshape(nq, _K, y.shape[-1]), axis=1)



def _fc1qkv_body(f_ref, w1_ref, b1_ref, g1_ref, gb1_ref, qw_ref, qb_ref,
                 kw_ref, kb_ref, vw_ref, vb_ref, q_ref, kv_ref):
    a = jnp.dot(f_ref[...], w1_ref[...],
                preferred_element_type=jnp.float32) + b1_ref[...]
    n = a.shape[0]
    m = jnp.sum(a, axis=0, keepdims=True) / n
    d = a - m
    v = jnp.sum(d * d, axis=0, keepdims=True) / n
    f1 = _gelu(g1_ref[...] * d * lax.rsqrt(v + _EPS) + gb1_ref[...])
    q_ref[...] = jnp.dot(f1, qw_ref[...],
                         preferred_element_type=jnp.float32) + qb_ref[...]
    kv_ref[:, 0:128] = jnp.dot(f1, kw_ref[...],
                               preferred_element_type=jnp.float32) + kb_ref[...]
    kv_ref[:, 128:256] = jnp.dot(f1, vw_ref[...],
                                 preferred_element_type=jnp.float32) + vb_ref[...]



def _p1_body(qp_ref, kp_ref, w_ref, b_ref, pre_ref, st_ref, acc_ref):
    i = pl.program_id(0)
    nq = qp_ref.shape[0]
    qpb = jnp.broadcast_to(qp_ref[...][:, None, :],
                           (nq, _K, 16)).reshape(nq * _K, 16)
    dp = qpb - kp_ref[:, 256:272]
    pre = jnp.dot(dp, w_ref[...],
                  preferred_element_type=jnp.float32) + b_ref[...]
    pre_ref[...] = pre

    @pl.when(i == 0)
    def _():
        acc_ref[...] = jnp.zeros_like(acc_ref)

    acc_ref[0:1, :] += jnp.sum(pre, axis=0, keepdims=True)
    acc_ref[1:2, :] += jnp.sum(pre * pre, axis=0, keepdims=True)

    @pl.when(i == pl.num_programs(0) - 1)
    def _():
        st_ref[...] = acc_ref[...]


def _p2_body(pre_ref, st_ref, bg_ref, bb_ref, w2_ref, b2_ref, q_ref, kk_ref,
             pos_ref, ga_ref, st2_ref, acc_ref, *, count):
    i = pl.program_id(0)
    pos3 = _gelu(_bn_from_stats(pre_ref[...], st_ref[...], bg_ref[...],
                                bb_ref[...], count))
    pos = jnp.dot(pos3, w2_ref[...],
                  preferred_element_type=jnp.float32) + b2_ref[...]
    nq = q_ref.shape[0]
    qb = jnp.broadcast_to(q_ref[...][:, None, :],
                          (nq, _K, 128)).reshape(nq * _K, 128)
    ga = (qb - kk_ref[:, 0:128]) + pos
    pos_ref[...] = pos
    ga_ref[...] = ga

    @pl.when(i == 0)
    def _():
        acc_ref[...] = jnp.zeros_like(acc_ref)

    acc_ref[0:1, :] += jnp.sum(ga, axis=0, keepdims=True)
    acc_ref[1:2, :] += jnp.sum(ga * ga, axis=0, keepdims=True)

    @pl.when(i == pl.num_programs(0) - 1)
    def _():
        st2_ref[...] = acc_ref[...]


def _p3_body(ga_ref, st_ref, bg_ref, bb_ref, w_ref, b_ref, gb_ref, st2_ref,
             acc_ref, *, count):
    i = pl.program_id(0)
    h = _gelu(_bn_from_stats(ga_ref[...], st_ref[...], bg_ref[...],
                             bb_ref[...], count))
    gb = jnp.dot(h, w_ref[...], preferred_element_type=jnp.float32) + b_ref[...]
    gb_ref[...] = gb

    @pl.when(i == 0)
    def _():
        acc_ref[...] = jnp.zeros_like(acc_ref)

    acc_ref[0:1, :] += jnp.sum(gb, axis=0, keepdims=True)
    acc_ref[1:2, :] += jnp.sum(gb * gb, axis=0, keepdims=True)

    @pl.when(i == pl.num_programs(0) - 1)
    def _():
        st2_ref[...] = acc_ref[...]


def _p4_body(gb_ref, st_ref, bg_ref, bb_ref, w_ref, b_ref, kv_ref, pos_ref,
             o_ref, *, count):
    h = _gelu(_bn_from_stats(gb_ref[...], st_ref[...], bg_ref[...],
                             bb_ref[...], count))
    gam = jnp.dot(h, w_ref[...],
                  preferred_element_type=jnp.float32) + b_ref[...]
    nq = o_ref.shape[0]
    G = gam.reshape(nq, _K, 128)
    mx = jnp.max(G, axis=1, keepdims=True)
    e = jnp.exp(G - mx)
    s = jnp.sum(e, axis=1, keepdims=True)
    rho = e / s
    val = (kv_ref[:, 128:256] + pos_ref[...]).reshape(nq, _K, 128)
    o_ref[...] = jnp.sum(rho * val, axis=1)



def _out_body(x_ref, ftd_ref, g2_ref, b2_ref, w_ref, bw_ref, g3_ref, b3_ref,
              o_ref):
    x = x_ref[...]
    n = x.shape[0]
    m = jnp.sum(x, axis=0, keepdims=True) / n
    d = x - m
    v = jnp.sum(d * d, axis=0, keepdims=True) / n
    a = _gelu(g2_ref[...] * d * lax.rsqrt(v + _EPS) + b2_ref[...])
    f2 = jnp.dot(a, w_ref[...], preferred_element_type=jnp.float32) + bw_ref[...]
    m2 = jnp.sum(f2, axis=0, keepdims=True) / n
    d2 = f2 - m2
    v2 = jnp.sum(d2 * d2, axis=0, keepdims=True) / n
    a2 = _gelu(g3_ref[...] * d2 * lax.rsqrt(v2 + _EPS) + b3_ref[...])
    o_ref[...] = ftd_ref[...] + a2



def kernel(feats, points, params):
    b, n, df = feats.shape
    n2 = n // 4
    nf = b * n2 * _K
    row1 = lambda a: a.reshape(1, -1)

    p2_idx, p2_points = _fps(points, n2)

    knn1 = _knn(p2_points, points)
    idx1 = (knn1 + (jnp.arange(b, dtype=jnp.int32) * n)[:, None, None]
            ).reshape(-1)

    pts_pad = jnp.pad(points, ((0, 0), (0, 0), (0, 5)))
    wp = jnp.pad(params['td_fc_W'][:3], ((0, 5), (0, 0)))
    wf = params['td_fc_W'][3:]
    t1 = pl.pallas_call(
        _t1_body,
        grid=(b,),
        in_specs=[
            pl.BlockSpec((1, n, 8), lambda i: (i, 0, 0)),
            pl.BlockSpec((1, n, df), lambda i: (i, 0, 0)),
            pl.BlockSpec((8, 128), lambda i: (0, 0)),
            pl.BlockSpec((df, 128), lambda i: (0, 0)),
            pl.BlockSpec((1, 128), lambda i: (0, 0)),
        ],
        out_specs=pl.BlockSpec((1, n, 128), lambda i: (i, 0, 0)),
        out_shape=jax.ShapeDtypeStruct((b, n, 128), jnp.float32),
    )(pts_pad, feats, wp, wf, row1(params['td_fc_b']))
    t1f = t1.reshape(b * n, 128)

    x_rows = _gather_rows(t1f, idx1, b * n, 128, nf)

    st_td = _stats(x_rows, 2048)
    f_td = pl.pallas_call(
        functools.partial(_td_apply_body, count=float(nf)),
        grid=(nf // 2048,),
        in_specs=[
            pl.BlockSpec((2048, 128), lambda i: (i, 0)),
            pl.BlockSpec((8, 128), lambda i: (0, 0)),
            pl.BlockSpec((1, 128), lambda i: (0, 0)),
            pl.BlockSpec((1, 128), lambda i: (0, 0)),
        ],
        out_specs=pl.BlockSpec((128, 128), lambda i: (i, 0)),
        out_shape=jax.ShapeDtypeStruct((b * n2, 128), jnp.float32),
    )(x_rows, st_td, row1(params['td_bn_g']), row1(params['td_bn_b']))

    q_tab, kv_tab = pl.pallas_call(
        _fc1qkv_body,
        out_shape=[
            jax.ShapeDtypeStruct((b * n2, 128), jnp.float32),
            jax.ShapeDtypeStruct((b * n2, 256), jnp.float32),
        ],
    )(f_td, params['fc1_W'], row1(params['fc1_b']), row1(params['bn1_g']),
      row1(params['bn1_b']), params['q_W'], row1(params['q_b']),
      params['k_W'], row1(params['k_b']), params['v_W'], row1(params['v_b']))

    knn2 = _knn(p2_points, p2_points)
    idx2 = (knn2 + (jnp.arange(b, dtype=jnp.int32) * n2)[:, None, None]
            ).reshape(-1)
    p2f = p2_points.reshape(b * n2, 3)
    p2pad = jnp.pad(p2f, ((0, 0), (0, 13)))
    kvp_tab = jnp.concatenate(
        [kv_tab, jnp.pad(p2f, ((0, 0), (0, 125)))], axis=1)
    kv_rows = _gather_rows(kvp_tab, idx2, b * n2, 384, nf)

    TQ = 256
    TR = TQ * _K
    grid = ((b * n2) // TQ,)
    d1w = jnp.pad(params['d1_W'], ((0, 13), (0, 13)))
    d1b = jnp.pad(params['d1_b'], (0, 13)).reshape(1, 16)
    bndg = jnp.pad(params['bnd_g'], (0, 13)).reshape(1, 16)
    bndb = jnp.pad(params['bnd_b'], (0, 13)).reshape(1, 16)
    d2w = jnp.pad(params['d2_W'], ((0, 13), (0, 0)))

    pre, st_d = pl.pallas_call(
        _p1_body,
        grid=grid,
        in_specs=[
            pl.BlockSpec((TQ, 16), lambda i: (i, 0)),
            pl.BlockSpec((TR, 384), lambda i: (i, 0)),
            pl.BlockSpec((16, 16), lambda i: (0, 0)),
            pl.BlockSpec((1, 16), lambda i: (0, 0)),
        ],
        out_specs=[
            pl.BlockSpec((TR, 16), lambda i: (i, 0)),
            pl.BlockSpec((8, 16), lambda i: (0, 0)),
        ],
        out_shape=[
            jax.ShapeDtypeStruct((nf, 16), jnp.float32),
            jax.ShapeDtypeStruct((8, 16), jnp.float32),
        ],
        scratch_shapes=[pltpu.VMEM((8, 16), jnp.float32)],
    )(p2pad, kv_rows, d1w, d1b)

    pos, gam_a, st_g1 = pl.pallas_call(
        functools.partial(_p2_body, count=float(nf)),
        grid=grid,
        in_specs=[
            pl.BlockSpec((TR, 16), lambda i: (i, 0)),
            pl.BlockSpec((8, 16), lambda i: (0, 0)),
            pl.BlockSpec((1, 16), lambda i: (0, 0)),
            pl.BlockSpec((1, 16), lambda i: (0, 0)),
            pl.BlockSpec((16, 128), lambda i: (0, 0)),
            pl.BlockSpec((1, 128), lambda i: (0, 0)),
            pl.BlockSpec((TQ, 128), lambda i: (i, 0)),
            pl.BlockSpec((TR, 384), lambda i: (i, 0)),
        ],
        out_specs=[
            pl.BlockSpec((TR, 128), lambda i: (i, 0)),
            pl.BlockSpec((TR, 128), lambda i: (i, 0)),
            pl.BlockSpec((8, 128), lambda i: (0, 0)),
        ],
        out_shape=[
            jax.ShapeDtypeStruct((nf, 128), jnp.float32),
            jax.ShapeDtypeStruct((nf, 128), jnp.float32),
            jax.ShapeDtypeStruct((8, 128), jnp.float32),
        ],
        scratch_shapes=[pltpu.VMEM((8, 128), jnp.float32)],
    )(pre, st_d, bndg, bndb, d2w, row1(params['d2_b']), q_tab, kv_rows)

    gam_b, st_g2 = pl.pallas_call(
        functools.partial(_p3_body, count=float(nf)),
        grid=grid,
        in_specs=[
            pl.BlockSpec((TR, 128), lambda i: (i, 0)),
            pl.BlockSpec((8, 128), lambda i: (0, 0)),
            pl.BlockSpec((1, 128), lambda i: (0, 0)),
            pl.BlockSpec((1, 128), lambda i: (0, 0)),
            pl.BlockSpec((128, 128), lambda i: (0, 0)),
            pl.BlockSpec((1, 128), lambda i: (0, 0)),
        ],
        out_specs=[
            pl.BlockSpec((TR, 128), lambda i: (i, 0)),
            pl.BlockSpec((8, 128), lambda i: (0, 0)),
        ],
        out_shape=[
            jax.ShapeDtypeStruct((nf, 128), jnp.float32),
            jax.ShapeDtypeStruct((8, 128), jnp.float32),
        ],
        scratch_shapes=[pltpu.VMEM((8, 128), jnp.float32)],
    )(gam_a, st_g1, row1(params['bng1_g']), row1(params['bng1_b']),
      params['g1_W'], row1(params['g1_b']))

    attn = pl.pallas_call(
        functools.partial(_p4_body, count=float(nf)),
        grid=grid,
        in_specs=[
            pl.BlockSpec((TR, 128), lambda i: (i, 0)),
            pl.BlockSpec((8, 128), lambda i: (0, 0)),
            pl.BlockSpec((1, 128), lambda i: (0, 0)),
            pl.BlockSpec((1, 128), lambda i: (0, 0)),
            pl.BlockSpec((128, 128), lambda i: (0, 0)),
            pl.BlockSpec((1, 128), lambda i: (0, 0)),
            pl.BlockSpec((TR, 384), lambda i: (i, 0)),
            pl.BlockSpec((TR, 128), lambda i: (i, 0)),
        ],
        out_specs=pl.BlockSpec((TQ, 128), lambda i: (i, 0)),
        out_shape=jax.ShapeDtypeStruct((b * n2, 128), jnp.float32),
    )(gam_b, st_g2, row1(params['bng2_g']), row1(params['bng2_b']),
      params['g2_W'], row1(params['g2_b']), kv_rows, pos)

    out = pl.pallas_call(
        _out_body,
        out_shape=jax.ShapeDtypeStruct((b * n2, 128), jnp.float32),
    )(attn, f_td, row1(params['bn2_g']), row1(params['bn2_b']),
      params['fc2_W'], row1(params['fc2_b']), row1(params['bn3_g']),
      row1(params['bn3_b']))

    return out.reshape(b, n2, 128), p2_points

# --- scband reference (transcript-rebuilt; emitter-appended) ---
"""Pipeline reference for scband-transition-down-block-85461259256092 (READ-ONLY COPY).

The authoritative reference and input builder live on the scoring server;
editing this copy changes nothing except your own understanding.
"""

import jax, jax.numpy as jnp
import numpy as np

K = 16

def get_points(points, idx):
    b = idx.shape[0]
    flat = idx.reshape(b, -1)
    res = jnp.take_along_axis(points, flat[..., None], axis=1)
    return res.reshape(*idx.shape, points.shape[-1])

def knn_idx_fn(ref, query, k):
    d2 = (jnp.sum(query ** 2, -1)[:, :, None] + jnp.sum(ref ** 2, -1)[:, None, :]
          - 2.0 * jnp.einsum('bqd,brd->bqr', query, ref))
    _, idx = jax.lax.top_k(-jax.lax.stop_gradient(d2), k)
    return idx

def fps(points, n_points):
    b, n, _ = points.shape
    pts = jax.lax.stop_gradient(points)
    def body(carry, _):
        distance, sample_idx = carry
        point = jnp.take_along_axis(pts, sample_idx[:, None, None], axis=1)
        dist = jnp.sum((pts - point) ** 2, -1)
        distance = jnp.minimum(dist, distance)
        nxt = jnp.argmax(distance, -1).astype(jnp.int32)
        return (distance, nxt), sample_idx
    init = (jnp.full((b, n), 1e10, dtype=pts.dtype), jnp.zeros((b,), jnp.int32))
    _, sampled = jax.lax.scan(body, init, jnp.arange(n_points))
    return sampled.T

def linear(x, W, b):
    return x @ W + b

def bn_last(x, g, b, eps=1e-5):
    axes = tuple(range(x.ndim - 1))
    m = jnp.mean(x, axes, keepdims=True)
    v = jnp.var(x, axes, keepdims=True)
    return g * (x - m) / jnp.sqrt(v + eps) + b

def gelu(x):
    return jax.nn.gelu(x, approximate=False)

def transition_down(feats, points, p):
    b, n, _ = feats.shape
    n2 = n // 4
    p2_idx = fps(points, n2)
    p2_points = get_points(points, p2_idx)
    knn_i = knn_idx_fn(points, p2_points, K)
    pkp = get_points(points, knn_i)
    pkf = get_points(feats, knn_i)
    x = jnp.concatenate([pkp, pkf], axis=-1)
    x = linear(x, p['td_fc_W'], p['td_fc_b'])
    x = gelu(bn_last(x, p['td_bn_g'], p['td_bn_b']))
    x = jnp.max(x, axis=2)
    return x, p2_points

def pt_layer(feats, points, p):
    knn_i = knn_idx_fn(points, points, K)
    knn_feats = get_points(feats, knn_i)
    knn_points = get_points(points, knn_i)
    pos = points[:, :, None, :] - knn_points
    pos = linear(pos, p['d1_W'], p['d1_b'])
    pos = gelu(bn_last(pos, p['bnd_g'], p['bnd_b']))
    pos = linear(pos, p['d2_W'], p['d2_b'])
    q = linear(feats, p['q_W'], p['q_b'])
    kk = linear(knn_feats, p['k_W'], p['k_b'])
    gamma = q[:, :, None, :] - kk + pos
    gamma = gelu(bn_last(gamma, p['bng1_g'], p['bng1_b']))
    gamma = linear(gamma, p['g1_W'], p['g1_b'])
    gamma = gelu(bn_last(gamma, p['bng2_g'], p['bng2_b']))
    gamma = linear(gamma, p['g2_W'], p['g2_b'])
    rho = jax.nn.softmax(gamma, axis=-2)
    val = linear(knn_feats, p['v_W'], p['v_b']) + pos
    return jnp.sum(rho * val, axis=2)

def pt_block(feats, points, p):
    out = linear(feats, p['fc1_W'], p['fc1_b'])
    out = gelu(bn_last(out, p['bn1_g'], p['bn1_b']))
    out = pt_layer(out, points, p)
    out = gelu(bn_last(out, p['bn2_g'], p['bn2_b']))
    out = linear(out, p['fc2_W'], p['fc2_b'])
    out = gelu(bn_last(out, p['bn3_g'], p['bn3_b']))
    return feats + out, points

def _make_params(key):
    specs = [('td_fc_W', (67, 128)), ('td_fc_b', (128,)), ('td_bn_g', (128,)), ('td_bn_b', (128,)),
             ('fc1_W', (128, 128)), ('fc1_b', (128,)), ('fc2_W', (128, 128)), ('fc2_b', (128,)),
             ('bn1_g', (128,)), ('bn1_b', (128,)), ('bn2_g', (128,)), ('bn2_b', (128,)),
             ('bn3_g', (128,)), ('bn3_b', (128,)),
             ('q_W', (128, 128)), ('q_b', (128,)), ('k_W', (128, 128)), ('k_b', (128,)),
             ('v_W', (128, 128)), ('v_b', (128,)),
             ('d1_W', (3, 3)), ('d1_b', (3,)), ('d2_W', (3, 128)), ('d2_b', (128,)),
             ('bnd_g', (3,)), ('bnd_b', (3,)),
             ('g1_W', (128, 128)), ('g1_b', (128,)), ('g2_W', (128, 128)), ('g2_b', (128,)),
             ('bng1_g', (128,)), ('bng1_b', (128,)), ('bng2_g', (128,)), ('bng2_b', (128,))]
    p = {}
    for i, (name, shape) in enumerate(specs):
        if name.endswith('_W'):
            p[name] = jax.random.normal(jax.random.fold_in(key, i), shape, dtype=jnp.float32) * 0.1
        elif name.endswith('_g'):
            p[name] = jnp.ones(shape, jnp.float32)
        else:
            p[name] = jnp.zeros(shape, jnp.float32)
    return p

def setup_inputs(seed: int = 0):
    key = jax.random.key(seed)
    feats = jax.random.normal(jax.random.fold_in(key, 0), (4, 4096, 64), dtype=jnp.float32)
    points = jax.random.normal(jax.random.fold_in(key, 1), (4, 4096, 3), dtype=jnp.float32)
    params = _make_params(jax.random.fold_in(key, 2))
    return {'feats': feats, 'points': points, 'params': params}

def reference(feats, points, params):
    f, pp = transition_down(feats, points, params)
    f, pp = pt_block(f, pp, params)
    return f, pp

if __name__ == "__main__":
    import jax
    _d = setup_inputs()
    print(jax.jit(kernel)(*tuple(_d.values())))

</pallas_src>

<mosaic_0001>
#map = affine_map<(d0, d1) -> (0, 0)>
#map1 = affine_map<(d0, d1) -> (0)>
module attributes {stable_mosaic.version = 14 : i64} {
  func.func @gk(%arg0: i32, %arg1: i32, %arg2: memref<16384x128xf32, #tpu.memory_space<hbm>>, %arg3: memref<65536xi32, #tpu.memory_space<hbm>>, %arg4: memref<65536x128xf32, #tpu.memory_space<hbm>>, %arg5: memref<512xi32, #tpu.memory_space<vmem>>, %arg6: memref<512x128xf32, #tpu.memory_space<vmem>>, %arg7: memref<!tpu.dma_semaphore, #tpu.memory_space<semaphore_mem>>) attributes {dimension_semantics = [#tpu.dimension_semantics<core_parallel>, #tpu.dimension_semantics<subcore_parallel>], iteration_bounds = array<i64: 2, 16>, scalar_prefetch = 0 : i64, scratch_operands = 3 : i64, tpu.core_type = #tpu.core_type<sc_vector_subcore>, window_params = [{transform_indices = #map}, {transform_indices = #map1}, {transform_indices = #map}]} {
    %mul3A = arith.constant 2 : i32
    %mul3A_0 = arith.muli %arg1, %mul3A : i32
    %add3A = arith.addi %mul3A_0, %arg0 : i32
    %mul3A_1 = arith.constant 2048 : i32
    %mul3A_2 = arith.muli %add3A, %mul3A_1 : i32
    %scan3A = arith.constant 0 : i32
    %scan3A_3 = arith.constant 0 : i32
    %scan3A_4 = arith.constant 4 : i32
    %scan3A_5 = arith.addi %scan3A_3, %scan3A_4 : i32
    %scan3A_6 = arith.constant 1 : i32
    scf.for %scan3A_8 = %scan3A_3 to %scan3A_5 step %scan3A_6  : i32 {
      %mul3A_9 = arith.constant 512 : i32
      %mul3A_10 = arith.muli %scan3A_8, %mul3A_9 : i32
      %add3A_11 = arith.addi %mul3A_2, %mul3A_10 : i32
      "tpu.region"() ({
        %run_scoped3A = tpu.sem_alloc : memref<!tpu.dma_semaphore, #tpu.memory_space<semaphore_mem>>
        %dma_start3A_16 = tpu.memref_slice %arg3[%add3A_11] : memref<65536xi32, #tpu.memory_space<hbm>> -> memref<512xi32, #tpu.memory_space<hbm>>
        %dma_start3A_17 = tpu.memref_slice %arg3[%add3A_11] : memref<65536xi32, #tpu.memory_space<hbm>> -> memref<512xi32, #tpu.memory_space<hbm>>
        tpu.enqueue_dma source(%dma_start3A_17 : memref<512xi32, #tpu.memory_space<hbm>>) target(%arg5 : memref<512xi32, #tpu.memory_space<vmem>>) target_semaphore(%run_scoped3A : memref<!tpu.dma_semaphore, #tpu.memory_space<semaphore_mem>>)
        %dma_wait3A_18 = tpu.memref_slice %arg3[%add3A_11] : memref<65536xi32, #tpu.memory_space<hbm>> -> memref<512xi32, #tpu.memory_space<hbm>>
        %dma_wait3A_19 = tpu.memref_slice %arg3[%add3A_11] : memref<65536xi32, #tpu.memory_space<hbm>> -> memref<512xi32, #tpu.memory_space<hbm>>
        tpu.wait_dma2 semaphore(%run_scoped3A : memref<!tpu.dma_semaphore, #tpu.memory_space<semaphore_mem>>) src(%dma_wait3A_19 : memref<512xi32, #tpu.memory_space<hbm>>) dst(%arg5 : memref<512xi32, #tpu.memory_space<vmem>>)
        tpu.yield
      }) : () -> ()
      %dma_start3A = arith.constant 0 : i32
      %dma_start3A_12 = arith.constant 0 : i32
      %dma_start3A_13 = tpu.memref_slice %arg2[%dma_start3A, %dma_start3A_12] : memref<16384x128xf32, #tpu.memory_space<hbm>> -> memref<16384x128xf32, #tpu.memory_space<hbm>>
      tpu.enqueue_indirect_dma source(%dma_start3A_13 : memref<16384x128xf32, #tpu.memory_space<hbm>>) target(%arg6 : memref<512x128xf32, #tpu.memory_space<vmem>>) offsets(%arg5 : memref<512xi32, #tpu.memory_space<vmem>>) semaphore(%arg7 : memref<!tpu.dma_semaphore, #tpu.memory_space<semaphore_mem>>)
      %dma_wait3A = arith.constant 0 : i32
      %dma_wait3A_14 = arith.constant 0 : i32
      %dma_wait3A_15 = tpu.memref_slice %arg2[%dma_wait3A, %dma_wait3A_14] : memref<16384x128xf32, #tpu.memory_space<hbm>> -> memref<16384x128xf32, #tpu.memory_space<hbm>>
      tpu.wait_indirect_dma semaphore(%arg7 : memref<!tpu.dma_semaphore, #tpu.memory_space<semaphore_mem>>) src(%dma_wait3A_15 : memref<16384x128xf32, #tpu.memory_space<hbm>>) dst(%arg6 : memref<512x128xf32, #tpu.memory_space<vmem>>)
      "tpu.region"() ({
        %run_scoped3A = tpu.sem_alloc : memref<!tpu.dma_semaphore, #tpu.memory_space<semaphore_mem>>
        %dma_start3A_16 = arith.constant 0 : i32
        %dma_start3A_17 = tpu.memref_slice %arg4[%add3A_11, %dma_start3A_16] : memref<65536x128xf32, #tpu.memory_space<hbm>> -> memref<512x128xf32, #tpu.memory_space<hbm>>
        %dma_start3A_18 = arith.constant 0 : i32
        %dma_start3A_19 = tpu.memref_slice %arg4[%add3A_11, %dma_start3A_18] : memref<65536x128xf32, #tpu.memory_space<hbm>> -> memref<512x128xf32, #tpu.memory_space<hbm>>
        tpu.enqueue_dma source(%arg6 : memref<512x128xf32, #tpu.memory_space<vmem>>) target(%dma_start3A_19 : memref<512x128xf32, #tpu.memory_space<hbm>>) target_semaphore(%run_scoped3A : memref<!tpu.dma_semaphore, #tpu.memory_space<semaphore_mem>>)
        %dma_wait3A_20 = arith.constant 0 : i32
        %dma_wait3A_21 = tpu.memref_slice %arg4[%add3A_11, %dma_wait3A_20] : memref<65536x128xf32, #tpu.memory_space<hbm>> -> memref<512x128xf32, #tpu.memory_space<hbm>>
        %dma_wait3A_22 = arith.constant 0 : i32
        %dma_wait3A_23 = tpu.memref_slice %arg4[%add3A_11, %dma_wait3A_22] : memref<65536x128xf32, #tpu.memory_space<hbm>> -> memref<512x128xf32, #tpu.memory_space<hbm>>
        tpu.wait_dma2 semaphore(%run_scoped3A : memref<!tpu.dma_semaphore, #tpu.memory_space<semaphore_mem>>) src(%arg6 : memref<512x128xf32, #tpu.memory_space<vmem>>) dst(%dma_wait3A_23 : memref<512x128xf32, #tpu.memory_space<hbm>>)
        tpu.yield
      }) : () -> ()
    }
    %scan3A_7 = arith.constant 4 : i32
    return
  }
}

</mosaic_0001>

<sc_bundles>
// kernel: _gather_rows.3.cloned.1.call-start
scs
__scs_entry_jumppad:
0x0: {  	(pc) =	sbr.rel $0x88, $3  }
0x1: {  	(tag) =	ssettag $0x0;
	lr =	simm.s32 $0x1  }
0x2: {  	[smem:$0x3F9F] =	sst lr;
	_ =	strace $0xD0000000  }
0x3: {  	_ = 	snop  }
0x4: {  	_ = 	snop  }
0x5: {  	_ = 	snop  }
0x6: {  	_ = 	snop  }
0x7: {  	_ = 	snop  }
__scs_overlays_trampoline_lowered:
0x8: {  	[smem:$0x3FAE] =	sst s0  }
0x9: {  	[smem:$0x3FAF] =	sst s1  }
0xa: {  	[smem:$0x3FB0] =	sst s2  }
0xb: {  	[smem:$0x3FB1] =	sst s3  }
0xc: {  	[smem:$0x3FB2] =	sst s4  }
0xd: {  	[smem:$0x3FB3] =	sst s5  }
0xe: {  	[smem:$0x3FB4] =	sst s6  }
0xf: {  	[smem:$0x3FB5] =	sst s7  }
0x10: {  	[smem:$0x3FB6] =	sst s8  }
0x11: {  	[smem:$0x3FB7] =	sst s9;
	s0 =	simm.s32 @!p0 $0x0  }
0x12: {  	s1 =	sld [smem:$0x3F9D];
	s0 =	simm.s32 @p0 $0x1  }
0x13: {  	[smem:$0x3FB8] =	sst s0;
	s0 =	simm.s32 @!p1 $0x0  }
0x14: {  	s2 =	sld [smem:$0x3F9C];
	s0 =	simm.s32 @p1 $0x1  }
0x15: {  	[smem:$0x3FB9] =	sst s0;
	s0 =	simm.s32 @!p2 $0x0  }
0x16: {  	s3 =	sld [smem:$0x3FDB];
	s0 =	simm.s32 @p2 $0x1  }
0x17: {  	s4 =	simm.s32 $0x1BF5;
	[smem:$0x3FBB] =	sst s0  }
0x18: {  	s0 =	sld [smem:$0x3F9E];
	_ =	swait.ge [sflag:s4], $0x0  }
0x19: {  	s7 =	sld [smem:$0x3F9F]  }
0x1a: {  	s8 =	sadd.s32 $0xFFFFE003, lr  }
0x1b: {  	s9 =	sadd.s32 $0xFFFFFEF7, lr;
	s5 =	simm.s32 $0xFFFFFFFF;
	p2 =	slt.u32 s8, $0xFFFFF086  }
0x1c: {  	p1 =	slt.u32 s9, $0xF7A;
	s5 =	simm.s32 @!p2 $0x0  }
0x1d: {  	s5 =	simm.s32 @p1 $0x1;
	p0 =	seq.s32 s7, s2  }
0x1e: {  	s7 =	smul.u32 @!p0 $0xF7A, s2;
	p2 =	seq.s32 @!p0 s5, $0x0  }
0x1f: {  	s9 =	smul.u32 $0xF7A, s1;
	s8 =	simm.s32 @!p0 $0x1BF5;
	p2 =	por !p2, p0  }
0x20: {  	[sflag:s8] =	ssyncset.s32 @!p0 $0xFFFFF086;
	s6 =	sadd.s32 @!p0 s3, s7;
	s7 =	simm.s32 @!p0 $0x108  }
0x21: {  	s3 =	sadd.s32 s3, s9;
	s6 =	sadd.s32 @!p0 $0x88, s6;
	s7 =	simm.s32 @p2 $0x1082  }
0x22: {  	[simem:s7], [sflag:s8] =	dma.local @!p0 [hbm:s6], $0xF7A  }
0x23: {  	s9 =	sor.u32 $0xD0000000, s2;
	s6 =	simm.s32 $0x108;
	_ =	swait.ge @!p0 [sflag:s8], $0x0  }
0x24: {  	s3 =	sadd.s32 $0x88, s3;
	s6 =	simm.s32 @!p1 $0x1082;
	[sflag:s4] =	ssyncset.s32 $0xFFFFF086  }
0x25: {  	[simem:s6], [sflag:s4] =	dma.local [hbm:s3], $0xF7A  }
0x26: {  	[smem:$0x3F9F] =	sst s1;
	(tag) =	ssettag s2;
	_ =	strace s9  }
0x27: {  	s1 =	sld [smem:$0x3FAF]  }
0x28: {  	s2 =	sld [smem:$0x3FB0]  }
0x29: {  	s4 =	sld [smem:$0x3FB2]  }
0x2a: {  	p0 =	seq.s32 s5, $0x0;
	s5 =	sld [smem:$0x3FB3]  }
0x2b: {  	s6 =	sld [smem:$0x3FB4]  }
0x2c: {  	s7 =	sld [smem:$0x3FB5]  }
0x2d: {  	s3 =	simm.s32 $0x108;
	s8 =	sld [smem:$0x3FB6]  }
0x2e: {  	s3 =	simm.s32 @!p0 $0x1082;
	s9 =	sld [smem:$0x3FB7]  }
0x2f: {  	lr =	sadd.s32 s0, s3;
	s0 =	sld [smem:$0x3FAE]  }
0x30: {  	s3 =	sld [smem:$0x3FB1]  }
0x31: {  	[smem:$0x3FBA] =	sst s10  }
0x32: {  	s10 =	sld [smem:$0x3FB8];
	_ =	sdelay $0x3  }
0x33: {  	p0 =	seq.s32 s10, $0x1;
	s10 =	sld [smem:$0x3FBA];
	_ =	sdelay $0x3  }
0x34: {  	[smem:$0x3FBA] =	sst s10  }
0x35: {  	s10 =	sld [smem:$0x3FB9];
	_ =	sdelay $0x3  }
0x36: {  	p1 =	seq.s32 s10, $0x1;
	s10 =	sld [smem:$0x3FBA];
	_ =	sdelay $0x3  }
0x37: {  	[smem:$0x3FBA] =	sst s10  }
0x38: {  	s10 =	sld [smem:$0x3FBB]  }
0x39: {  	_ = 	snop;
	(pc) =	sbr.ind lr, $3  }
0x3a: {  	_ = 	snop  }
0x3b: {  	_ = 	snop  }
0x3c: {  	p2 =	seq.s32 s10, $0x1;
	s10 =	sld [smem:$0x3FBA]  }
0x3d: {  	_ =	shalt  }
0x3e: {  	_ =	shalt  }
0x3f: {  	_ =	shalt  }
0x40: {  	_ =	shalt  }
0x41: {  	_ =	shalt  }
0x42: {  	_ =	shalt  }
0x43: {  	_ =	shalt  }
0x44: {  	_ =	shalt  }
0x45: {  	_ =	shalt  }
0x46: {  	_ =	shalt  }
0x47: {  	_ =	shalt  }
0x48: {  	_ =	shalt  }
0x49: {  	_ =	shalt  }
0x4a: {  	_ =	shalt  }
0x4b: {  	_ =	shalt  }
0x4c: {  	_ =	shalt  }
0x4d: {  	_ =	shalt  }
0x4e: {  	_ =	shalt  }
0x4f: {  	_ =	shalt  }
0x50: {  	_ =	shalt  }
0x51: {  	_ =	shalt  }
0x52: {  	_ =	shalt  }
0x53: {  	_ =	shalt  }
0x54: {  	_ =	shalt  }
0x55: {  	_ =	shalt  }
0x56: {  	_ =	shalt  }
0x57: {  	_ =	shalt  }
0x58: {  	_ =	shalt  }
0x59: {  	_ =	shalt  }
0x5a: {  	_ =	shalt  }
0x5b: {  	_ =	shalt  }
0x5c: {  	_ =	shalt  }
0x5d: {  	_ =	shalt  }
0x5e: {  	_ =	shalt  }
0x5f: {  	_ =	shalt  }
0x60: {  	_ =	shalt  }
0x61: {  	_ =	shalt  }
0x62: {  	_ =	shalt  }
0x63: {  	_ =	shalt  }
0x64: {  	_ =	shalt  }
0x65: {  	_ =	shalt  }
0x66: {  	_ =	shalt  }
0x67: {  	_ =	shalt  }
0x68: {  	_ =	shalt  }
0x69: {  	_ =	shalt  }
0x6a: {  	_ =	shalt  }
0x6b: {  	_ =	shalt  }
0x6c: {  	_ =	shalt  }
0x6d: {  	_ =	shalt  }
0x6e: {  	_ =	shalt  }
0x6f: {  	_ =	shalt  }
0x70: {  	_ =	shalt  }
0x71: {  	_ =	shalt  }
0x72: {  	_ =	shalt  }
0x73: {  	_ =	shalt  }
0x74: {  	_ =	shalt  }
0x75: {  	_ =	shalt  }
0x76: {  	_ =	shalt  }
0x77: {  	_ =	shalt  }
0x78: {  	_ =	shalt  }
0x79: {  	_ =	shalt  }
0x7a: {  	_ =	shalt  }
0x7b: {  	_ =	shalt  }
0x7c: {  	_ =	shalt  }
0x7d: {  	_ =	shalt  }
0x7e: {  	_ =	shalt  }
0x7f: {  	_ =	shalt  }
0x80: {  	_ =	shalt  }
0x81: {  	_ =	shalt  }
0x82: {  	_ =	shalt  }
0x83: {  	_ =	shalt  }
0x84: {  	_ =	shalt  }
0x85: {  	_ =	shalt  }
0x86: {  	_ =	shalt  }
0x87: {  	_ =	shalt  }
.Lfunc_end0:
.L_simem_size_0:
called_computation_lowered:
.L_overlay_start_0:
0x88: {  	s2 =	sld [smem:$0x3FD9]  }
0x89: {  	s3 =	sld [smem:$0x3FFE];
	_ =	sdelay $0x1  }
0x8a: {  	s1 =	srdreg.scid  }
0x8b: {  	s0 =	sand.u32 $0x1, s1  }
0x8c: {  	s18 =	sshll.u32 s0, $0xA;
	s2 =	sadd.s32 s3, s2  }
0x8d: {  	s2 =	sadd.s32 s2, s18  }
0x8e: {  	[smem:$0x3FC6] =	sst s2  }
0x8f: {  	_ = 	snop  }
0x90: {  	s2 =	sld [smem:$0x3FC9]  }
0x91: {  	s19 =	sld [smem:$0x3FC8]  }
0x92: {  	s4 =	sld [smem:$0x3FD0];
	(tm) =	ssettm $0x1  }
0x93: {  	s5 =	sld [smem:$0x3FFB];
	_ =	sdelay $0x3  }
0x94: {  	_ =	strace s5  }
0x95: {  	s5 =	sld [smem:$0x3FFC];
	_ =	sdelay $0x3  }
0x96: {  	_ =	strace s5  }
0x97: {  	s5 =	sld [smem:$0x3FFD];
	_ =	sdelay $0x3  }
0x98: {  	_ =	strace s5  }
0x99: {  	_ =	strace $0x8FFFFFFF  }
0x9a: {  	s20 =	sld [smem:$0x3FDB];
	_ =	sdelay $0x1  }
0x9b: {  	s6 =	simm.s32 $_scs_section_size  }
0x9c: {  	s7 =	simm.s32 $_size__tile_overlayer_lowered;
	s8 =	simm.s32 $_tile_overlayer_lowered  }
0x9d: {  	s23 =	simm.s32 $0x1BFF;
	s22 =	sshll.u32 s8, $0x1;
	s5 =	sadd.s32 s6, s20  }
0x9e: {  	s9 =	simm.s32 $0x0;
	s21 =	sshll.u32 s7, $0x1;
	s7 =	sadd.s32 s22, s5  }
0x9f: {  	[timem:s9], [sflag:s23] =	dma.local [hbm:s7], s21  }
0xa0: {  	_ =	swait.ge [sflag:s23], s21  }
0xa1: {  	s6 =	ssub.s32 $0x0, s21;
	[sflag:s23] =	ssyncset.done $0x0  }
0xa2: {  	[sflag:s23] =	ssyncadd.s32 s6;
	_ =	sdelay $0x1  }
0xa3: {  	s24 =	simm.s32 $0x1B8B  }
0xa4: {  	_ =	swait.ge [sflag:s24], $0x1  }
0xa5: {  	[sflag:s24] =	ssyncset.done $0x0  }
0xa6: {  	s25 =	simm.s32 $0x1B8E;
	[sflag:s24] =	ssyncadd.s32 $0xFFFFFFFF  }
0xa7: {  	s26 =	simm.s32 $execute0_lowered;
	[smem:$0x3FD2] =	sst s25  }
0xa8: {  	s6 =	sshll.u32 s26, $0x1;
	_ =	strace $0x80000046;
	[dreg:$0x1] =	wrdreg $0xFFFFFFFF  }
0xa9: {  	s28 =	simm.s32 $_size_execute0_lowered;
	s5 =	sadd.s32 s5, s6;
	[dreg:$0x0] =	wrdreg $0x0  }
0xaa: {  	s6 =	sshll.u32 s28, $0x1;
	[dreg:$0x2] =	wrdreg s5  }
0xab: {  	[dreg:$0x3] =	wrdreg s6  }
0xac: {  	[dreg:$0x4] =	wrdreg $0xC0  }
0xad: {  	_ =	task [dreg:s9], $0x5FFFF  }
0xae: {  	[dreg:$0x1] =	wrdreg $0xFFFFFFFF  }
0xaf: {  	[dreg:$0x0] =	wrdreg $0x60  }
0xb0: {  	[dreg:$0x2] =	wrdreg s2  }
0xb1: {  	[dreg:$0x3] =	wrdreg s19  }
0xb2: {  	[dreg:$0x4] =	wrdreg s4  }
0xb3: {  	[dreg:$0x5] =	wrdreg $0x9  }
0xb4: {  	_ =	task.clear_ibuf [dreg:s9], $0x6FFFF;
	_ =	strace $0x90000046  }
0xb5: {  	s29 =	simm.s32 $0x9;
	_ =	strace $0x80000048  }
0xb6: {  	_ =	swait.ge [sflag:s29], $0x1  }
0xb7: {  	[sflag:s29] =	ssyncadd.s32 $0xFFFFFFFF  }
0xb8: {  	_ =	strace $0x90000048  }
0xb9: {  	_ =	sfence  }
0xba: {  	s30 =	sld [smem:$0x0];
	_ =	sdelay $0x2  }
0xbb: {  	s31 =	sshll.u32 s1, $0xD;
	s1 =	sshrl.u32 s1, $0x2  }
0xbc: {  	s3 =	sand.u32 $0x4000, s31;
	s1 =	sadd.s32 s1, s30  }
0xbd: {  	s0 =	sor.u32 s3, s0;
	s1 =	sshll.u32 s1, $0x11  }
0xbe: {  	s0 =	sor.u32 s1, s0  }
0xbf: {  	s0 =	sadd.s32 $0x8F2B, s0  }
0xc0: {  	[sflag:s0] =	ssyncadd.remote.s32 $0x1  }
0xc1: {  	_ =	sfence.sel $0xFFFF  }
0xc2: {  	[dreg:$0x0] =	wrdreg $0xFFFFFFFF;
	(pc) =	sbr.abs _section_cstart, $3  }
0xc3: {  	[dreg:$0x1] =	wrdreg $0xFFFFFFFF  }
0xc4: {  	_ =	task.clear_ibuf [dreg:s9], $0x2FFFF;
	_ =	strace $0x9FFFFFFF  }
0xc5: {  	(tm) =	ssettm $0x7FFFFFFF  }
tec
execute0_lowered:
.L_overlay_start_1:
0x0: {  	(tag) =	ssettag $0x1  }
0x1: {  	s1 =	rddreg [dreg:$0x0];
	s2 =	srdreg.scid  }
0x2: {  	s13 =	rddreg [dreg:$0x1];
	s0 =	stileid.u32;
	s15 =	sand.u32 $0x1, s2  }
0x3: {  	s14 =	rddreg [dreg:$0x2];
	s4 =	sshll.u32 s0, $0xC;
	s5 =	sshll.u32 s15, $0xB  }
0x4: {  	s3 =	simm.s32 $0x0;
	s2 =	rddreg [dreg:$0x3];
	s16 =	sor.u32 s5, s4  }
0x5: {  	[smem:$0x7FF] =	sst s3;
	s4 =	sshrl.u32 s16, $0x3  }
0x6: {  	_ =	strace $0x80000047;
	s5 =	sadd.s32 s13, s4;
	s4 =	simm.s32 $0x2  }
0x7: {  	[tilespmem:s3], [sflag:$0x2] =	stream.linear.gather [hbm4b:s5+s3], $0x200, $0x38;
	[tilespmem:$0x10200] =	vst v63  }
0x8: {  	_ =	swait.ge [sflag:s4], $0x200  }
0x9: {  	[sflag:s4] =	ssyncset.done $0x0  }
0xa: {  	s6 =	simm.s32 $0x200;
	s7 =	simm.s32 $0x1;
	[sflag:s4] =	ssyncadd.s32 $0xFFFFFE00  }
0xb: {  	[tilespmem:s6], [sflag:$0x1] =	stream.indirect.gather [hbm4b:s1+s6], $0x80, s3, s6, $0xb8;
	[tilespmem:$0x10200] =	vst v63  }
0xc: {  	_ =	swait.ge [sflag:s7], $0x10000  }
0xd: {  	s8 =	sshll.u32 s16, $0x4;
	[sflag:s7] =	ssyncset.done $0x0  }
0xe: {  	s8 =	sadd.s32 s14, s8;
	[sflag:s7] =	ssyncadd.s32 $0xFFFF0000  }
0xf: {  	[hbm4b:s8+s3] =	stream.linear.scatter [tilespmem:s6], [sflag:$0x2], $0x10000, $0x38;
	[tilespmem:$0x10200] =	vst v63  }
0x10: {  	s10 =	sor.u32 $0x200, s16;
	_ =	swait.ge [sflag:s4], $0x10000  }
0x11: {  	s9 =	sshrl.u32 s10, $0x3;
	[sflag:s4] =	ssyncset.done $0x0  }
0x12: {  	s9 =	sadd.s32 s13, s9;
	[sflag:s4] =	ssyncadd.s32 $0xFFFF0000  }
0x13: {  	[tilespmem:s3], [sflag:$0x2] =	stream.linear.gather [hbm4b:s9+s3], $0x200, $0x38;
	[tilespmem:$0x10200] =	vst v63  }
0x14: {  	_ =	swait.ge [sflag:s4], $0x200  }
0x15: {  	[sflag:s4] =	ssyncset.done $0x0  }
0x16: {  	[sflag:s4] =	ssyncadd.s32 $0xFFFFFE00  }
0x17: {  	[tilespmem:s6], [sflag:$0x1] =	stream.indirect.gather [hbm4b:s1+s6], $0x80, s3, s6, $0xb8;
	[tilespmem:$0x10200] =	vst v63  }
0x18: {  	_ =	swait.ge [sflag:s7], $0x10000  }
0x19: {  	s10 =	sshll.u32 s10, $0x4;
	[sflag:s7] =	ssyncset.done $0x0  }
0x1a: {  	s10 =	sadd.s32 s14, s10;
	[sflag:s7] =	ssyncadd.s32 $0xFFFF0000  }
0x1b: {  	[hbm4b:s10+s3] =	stream.linear.scatter [tilespmem:s6], [sflag:$0x2], $0x10000, $0x38;
	[tilespmem:$0x10200] =	vst v63  }
0x1c: {  	s12 =	sor.u32 $0x400, s16;
	_ =	swait.ge [sflag:s4], $0x10000  }
0x1d: {  	s11 =	sshrl.u32 s12, $0x3;
	[sflag:s4] =	ssyncset.done $0x0  }
0x1e: {  	s11 =	sadd.s32 s13, s11;
	[sflag:s4] =	ssyncadd.s32 $0xFFFF0000  }
0x1f: {  	[tilespmem:s3], [sflag:$0x2] =	stream.linear.gather [hbm4b:s11+s3], $0x200, $0x38;
	[tilespmem:$0x10200] =	vst v63  }
0x20: {  	_ =	swait.ge [sflag:s4], $0x200  }
0x21: {  	[sflag:s4] =	ssyncset.done $0x0  }
0x22: {  	[sflag:s4] =	ssyncadd.s32 $0xFFFFFE00  }
0x23: {  	[tilespmem:s6], [sflag:$0x1] =	stream.indirect.gather [hbm4b:s1+s6], $0x80, s3, s6, $0xb8;
	[tilespmem:$0x10200] =	vst v63  }
0x24: {  	_ =	swait.ge [sflag:s7], $0x10000  }
0x25: {  	s12 =	sshll.u32 s12, $0x4;
	[sflag:s7] =	ssyncset.done $0x0  }
0x26: {  	s12 =	sadd.s32 s14, s12;
	[sflag:s7] =	ssyncadd.s32 $0xFFFF0000  }
0x27: {  	[hbm4b:s12+s3] =	stream.linear.scatter [tilespmem:s6], [sflag:$0x2], $0x10000, $0x38;
	[tilespmem:$0x10200] =	vst v63  }
0x28: {  	s16 =	sor.u32 $0x600, s16;
	_ =	swait.ge [sflag:s4], $0x10000  }
0x29: {  	s17 =	sshrl.u32 s16, $0x3;
	[sflag:s4] =	ssyncset.done $0x0  }
0x2a: {  	s15 =	ssub.s32 $0x2, s15;
	s13 =	sadd.s32 s13, s17;
	[sflag:s4] =	ssyncadd.s32 $0xFFFF0000  }
0x2b: {  	[tilespmem:s3], [sflag:$0x2] =	stream.linear.gather [hbm4b:s13+s3], $0x200, $0x38;
	[tilespmem:$0x10200] =	vst v63  }
0x2c: {  	s31 =	sshrl.u32 s15, $0x1;
	_ =	swait.ge [sflag:s4], $0x200  }
0x2d: {  	s15 =	ssub.s32 s15, s31;
	[sflag:s4] =	ssyncset.done $0x0  }
0x2e: {  	s15 =	smax.u32 s15, $0x1;
	[sflag:s4] =	ssyncadd.s32 $0xFFFFFE00  }
0x2f: {  	[tilespmem:s6], [sflag:$0x1] =	stream.indirect.gather [hbm4b:s1+s6], $0x80, s3, s6, $0xb8;
	[tilespmem:$0x10200] =	vst v63  }
0x30: {  	p0 =	sne.s32 s15, $0x1;
	_ =	swait.ge [sflag:s7], $0x10000  }
.Ltmp0:
0x31: {  	s16 =	sshll.u32 s16, $0x4;
	[sflag:s7] =	ssyncset.done $0x0;
	(pc) =	sbr.rel @!p0 .LBB2_2-.Ltmp0, $4  }
0x32: {  	s14 =	sadd.s32 s14, s16;
	[sflag:s7] =	ssyncadd.s32 $0xFFFF0000  }
0x33: {  	[hbm4b:s14+s3] =	stream.linear.scatter [tilespmem:s6], [sflag:$0x2], $0x10000, $0x38;
	[tilespmem:$0x10200] =	vst v63  }
0x34: {  	_ =	swait.ge [sflag:s4], $0x10000  }
0x35: {  	s15 =	sadd.s32 $0xFFFFFFFF, s15;
	[sflag:s4] =	ssyncset.done $0x0  }
.LBB2_1:
0x36: {  	p0 =	sne.s32 s15, $0x1;
	s15 =	sadd.s32 $0xFFFFFFFF, s15;
	[sflag:s4] =	ssyncadd.s32 $0xFFFF0000  }
0x37: {  	[tilespmem:s3], [sflag:$0x2] =	stream.linear.gather [hbm4b:s5+s3], $0x200, $0x38;
	[tilespmem:$0x10200] =	vst v63  }
0x38: {  	_ =	swait.ge [sflag:s4], $0x200  }
0x39: {  	[sflag:s4] =	ssyncset.done $0x0  }
0x3a: {  	[sflag:s4] =	ssyncadd.s32 $0xFFFFFE00  }
0x3b: {  	[tilespmem:s6], [sflag:$0x1] =	stream.indirect.gather [hbm4b:s1+s6], $0x80, s3, s6, $0xb8;
	[tilespmem:$0x10200] =	vst v63  }
0x3c: {  	_ =	swait.ge [sflag:s7], $0x10000  }
0x3d: {  	[sflag:s7] =	ssyncset.done $0x0  }
0x3e: {  	[sflag:s7] =	ssyncadd.s32 $0xFFFF0000  }
0x3f: {  	[hbm4b:s8+s3] =	stream.linear.scatter [tilespmem:s6], [sflag:$0x2], $0x10000, $0x38;
	[tilespmem:$0x10200] =	vst v63  }
0x40: {  	_ =	swait.ge [sflag:s4], $0x10000  }
0x41: {  	[sflag:s4] =	ssyncset.done $0x0  }
0x42: {  	[sflag:s4] =	ssyncadd.s32 $0xFFFF0000  }
0x43: {  	[tilespmem:s3], [sflag:$0x2] =	stream.linear.gather [hbm4b:s9+s3], $0x200, $0x38;
	[tilespmem:$0x10200] =	vst v63  }
0x44: {  	_ =	swait.ge [sflag:s4], $0x200  }
0x45: {  	[sflag:s4] =	ssyncset.done $0x0  }
0x46: {  	[sflag:s4] =	ssyncadd.s32 $0xFFFFFE00  }
0x47: {  	[tilespmem:s6], [sflag:$0x1] =	stream.indirect.gather [hbm4b:s1+s6], $0x80, s3, s6, $0xb8;
	[tilespmem:$0x10200] =	vst v63  }
0x48: {  	_ =	swait.ge [sflag:s7], $0x10000  }
0x49: {  	[sflag:s7] =	ssyncset.done $0x0  }
0x4a: {  	[sflag:s7] =	ssyncadd.s32 $0xFFFF0000  }
0x4b: {  	[hbm4b:s10+s3] =	stream.linear.scatter [tilespmem:s6], [sflag:$0x2], $0x10000, $0x38;
	[tilespmem:$0x10200] =	vst v63  }
0x4c: {  	_ =	swait.ge [sflag:s4], $0x10000  }
0x4d: {  	[sflag:s4] =	ssyncset.done $0x0  }
0x4e: {  	[sflag:s4] =	ssyncadd.s32 $0xFFFF0000  }
0x4f: {  	[tilespmem:s3], [sflag:$0x2] =	stream.linear.gather [hbm4b:s11+s3], $0x200, $0x38;
	[tilespmem:$0x10200] =	vst v63  }
0x50: {  	_ =	swait.ge [sflag:s4], $0x200  }
0x51: {  	[sflag:s4] =	ssyncset.done $0x0  }
0x52: {  	[sflag:s4] =	ssyncadd.s32 $0xFFFFFE00  }
0x53: {  	[tilespmem:s6], [sflag:$0x1] =	stream.indirect.gather [hbm4b:s1+s6], $0x80, s3, s6, $0xb8;
	[tilespmem:$0x10200] =	vst v63  }
0x54: {  	_ =	swait.ge [sflag:s7], $0x10000  }
0x55: {  	[sflag:s7] =	ssyncset.done $0x0  }
0x56: {  	[sflag:s7] =	ssyncadd.s32 $0xFFFF0000  }
0x57: {  	[hbm4b:s12+s3] =	stream.linear.scatter [tilespmem:s6], [sflag:$0x2], $0x10000, $0x38;
	[tilespmem:$0x10200] =	vst v63  }
0x58: {  	_ =	swait.ge [sflag:s4], $0x10000  }
0x59: {  	[sflag:s4] =	ssyncset.done $0x0  }
0x5a: {  	[sflag:s4] =	ssyncadd.s32 $0xFFFF0000  }
0x5b: {  	[tilespmem:s3], [sflag:$0x2] =	stream.linear.gather [hbm4b:s13+s3], $0x200, $0x38;
	[tilespmem:$0x10200] =	vst v63  }
0x5c: {  	_ =	swait.ge [sflag:s4], $0x200  }
0x5d: {  	[sflag:s4] =	ssyncset.done $0x0  }
0x5e: {  	[sflag:s4] =	ssyncadd.s32 $0xFFFFFE00  }
0x5f: {  	[tilespmem:s6], [sflag:$0x1] =	stream.indirect.gather [hbm4b:s1+s6], $0x80, s3, s6, $0xb8;
	[tilespmem:$0x10200] =	vst v63  }
0x60: {  	_ =	swait.ge [sflag:s7], $0x10000  }
.Ltmp1:
0x61: {  	[sflag:s7] =	ssyncset.done $0x0;
	(pc) =	sbr.rel @p0 .LBB2_1-.Ltmp1, $4  }
0x62: {  	[sflag:s7] =	ssyncadd.s32 $0xFFFF0000  }
0x63: {  	[hbm4b:s14+s3] =	stream.linear.scatter [tilespmem:s6], [sflag:$0x2], $0x10000, $0x38;
	[tilespmem:$0x10200] =	vst v63  }
0x64: {  	_ =	swait.ge [sflag:s4], $0x10000  }
0x65: {  	[sflag:s4] =	ssyncset.done $0x0  }
.LBB2_2:
0x66: {  	[sflag:s4] =	ssyncadd.s32 $0xFFFF0000  }
0x67: {  	_ =	sfence.sel $0x180000  }
0x68: {  	[bflag:$0x0] =	sbarrier.arrive $0xFFFF  }
0x69: {  	p0 =	sne.s32 s0, $0x0;
	_ =	strace $0x90000047  }
0x6a: {  	s0 =	sadd.s32 @!p0 $0x100000, s2;
	[bflag:$0x2] =	sbarrier.arrive $0xFFFF  }
0x6b: {  	[sflag:s0] =	ssyncadd.tile.s32 @!p0 $0x1;
	_ =	shalt  }
.Lfunc_end2:
_tile_overlayer_lowered:
.L_overlay_start_2:
0x6c: {  	(tag) =	ssettag $0x2  }
0x6d: {  	s0 =	rddreg [dreg:$0x0];
	s2 =	stileid.u32  }
0x6e: {  	s1 =	rddreg [dreg:$0x1];
	p0 =	sne.s32 s2, $0x0  }
0x6f: {  	s3 =	rddreg [dreg:$0x2];
	[bflag:$0x3] =	sbarrier.arrive $0xFFFF;
	s2 =	simm.s32 @!p0 $0x1C02  }
0x70: {  	[timem:s3], [sflag:s2] =	dma.local @!p0 [hbm:s0], s1  }
0x71: {  	s0 =	simm.s32 @!p0 $0x2  }
0x72: {  	_ =	swait.ge @!p0 [sflag:s0], s1  }
0x73: {  	s1 =	ssub.s32 @!p0 $0x0, s1;
	[sflag:s0] =	ssyncset.done @!p0 $0x0  }
0x74: {  	[sflag:s0] =	ssyncadd.s32 @!p0 s1  }
0x75: {  	[bflag:$0x3] =	sbarrier.arrive $0xFFFF  }
0x76: {  	_ =	shalt  }

</sc_bundles>
